<compile_context>
chip_gen: v7x
topology: tpu7x:2x2x1
jax: 0.10.2.dev20260603
libtpu: 0.0.44.dev20260713+nightly
codegen_flags: <defaults>
</compile_context>

<pallas_src>
import functools
import numpy as np
import jax
import jax.numpy as jnp
from jax import lax
from jax.experimental import pallas as pl
from jax.experimental.pallas import tpu as pltpu
from jax.experimental.pallas import tpu_sc as plsc

_MAX_DIST = 18
_BOARD = 19
_N = _BOARD * _BOARD
_PAD = 384
_NW = 32
_ROWS_PER_W = _PAD // _NW
_STRIPE = _ROWS_PER_W * _PAD
_L = 16


def _build_scatter_lists():
    dirs = [(-1, 0), (1, 0), (0, -1), (0, 1),
            (-1, -1), (-1, 1), (1, -1), (1, 1)]
    rr, cc = np.meshgrid(np.arange(_BOARD), np.arange(_BOARD), indexing="ij")
    p_flat = rr * _BOARD + cc
    per_w = [[] for _ in range(_NW)]
    for d, (dr, dc) in enumerate(dirs):
        koff = 0 if d < 4 else _MAX_DIST
        for t in range(1, _MAX_DIST + 1):
            tr = rr + dr * t
            tc = cc + dc * t
            valid = (tr >= 0) & (tr < _BOARD) & (tc >= 0) & (tc < _BOARD)
            k = koff + t - 1
            for p, q in zip(p_flat[valid], (tr * _BOARD + tc)[valid]):
                w = q // _ROWS_PER_W
                off = (q - w * _ROWS_PER_W) * _PAD + p
                per_w[w].append(off | (k << 16))
    lmax = max(len(e) for e in per_w)
    lmax = -(-lmax // _L) * _L
    packed = np.zeros((_NW, lmax), np.int32)
    for w, ent in enumerate(per_w):
        pad = [(_STRIPE + (j % _L)) | (36 << 16)
               for j in range(lmax - len(ent))]
        packed[w] = np.asarray(ent + pad, np.int32)
    return packed


_PACKED_NP = _build_scatter_lists()
_LMAX = _PACKED_NP.shape[1]
_SC_MESH = plsc.VectorSubcoreMesh(core_axis_name="c", subcore_axis_name="s")


@functools.partial(
    pl.kernel,
    mesh=_SC_MESH,
    out_type=jax.ShapeDtypeStruct((_PAD * _PAD,), jnp.float32),
    scratch_types=[
        pltpu.VMEM((_LMAX,), jnp.int32),
        pltpu.VMEM((64,), jnp.float32),
        pltpu.VMEM((_STRIPE + _L,), jnp.float32),
    ],
    compiler_params=pltpu.CompilerParams(needs_layout_passes=False),
)
def _sc_build_mt(w_hbm, packed_hbm, out_hbm, pk_v, w_v, buf_v):
    wid = lax.axis_index("s") * 2 + lax.axis_index("c")
    pltpu.sync_copy(w_hbm, w_v)
    pltpu.sync_copy(packed_hbm.at[wid], pk_v)

    def _zero(i, _):
        buf_v[pl.ds(i * _L, _L)] = jnp.zeros((_L,), jnp.float32)
        return _

    lax.fori_loop(0, (_STRIPE + _L) // _L, _zero, 0)

    def _scatter(i, _):
        pk = pk_v[pl.ds(i * _L, _L)]
        off = lax.bitwise_and(pk, 0xFFFF)
        kk = lax.shift_right_logical(pk, 16)
        vals = plsc.load_gather(w_v, [kk])
        plsc.store_scatter(buf_v, [off], vals)
        return _

    lax.fori_loop(0, _LMAX // _L, _scatter, 0)
    pltpu.sync_copy(buf_v.at[pl.ds(0, _STRIPE)],
                    out_hbm.at[pl.ds(wid * _STRIPE, _STRIPE)])


def _mm_body(mt_ref, x_ref, out_ref):
    mtv = mt_ref[0:_N, 0:_N]
    out_ref[...] = jnp.dot(x_ref[...], mtv, preferred_element_type=jnp.float32)


def kernel(x, weight):
    B, C, H, W = x.shape
    xf = x.reshape(B * C, H * W)
    wexp = jnp.concatenate(
        [weight[0], weight[1], jnp.zeros((64 - 2 * _MAX_DIST,), weight.dtype)])
    mt_flat = _sc_build_mt(wexp, jnp.asarray(_PACKED_NP))
    mt = mt_flat.reshape(_PAD, _PAD)
    out = pl.pallas_call(
        _mm_body,
        out_shape=jax.ShapeDtypeStruct((B * C, H * W), jnp.float32),
        in_specs=[
            pl.BlockSpec(memory_space=pltpu.VMEM),
            pl.BlockSpec(memory_space=pltpu.VMEM),
        ],
        out_specs=pl.BlockSpec(memory_space=pltpu.VMEM),
    )(mt, xf)
    return out.reshape(B, C, H, W)

# --- scband reference (transcript-rebuilt; emitter-appended) ---
"""Pipeline reference for scband-ray-cast-layer-5463198400791 (READ-ONLY COPY).

The authoritative reference and input builder live on the scoring server;
editing this copy changes nothing except your own understanding.
"""

import jax, jax.numpy as jnp
import numpy as np

MAX_DIST = 18
BOARD = 19
LINE_GROUP = np.array([0, 1, 2, 3])
DIAG_GROUP = np.array([4, 5, 6, 7])


def _build_ray_indices(max_dist=MAX_DIST, board=BOARD):
    dirs = [(-1, 0), (1, 0), (0, -1), (0, 1), (-1, -1), (-1, 1), (1, -1), (1, 1)]
    rr, cc = np.meshgrid(np.arange(board), np.arange(board), indexing='ij')
    flat = np.zeros((8, max_dist, board * board), dtype=np.int32)
    mask = np.zeros((8, max_dist, board, board), dtype=np.float32)
    for d in range(8):
        dr, dc = dirs[d]
        for t in range(1, max_dist + 1):
            tr = rr + dr * t
            tc = cc + dc * t
            valid = (tr >= 0) & (tr < board) & (tc >= 0) & (tc < board)
            tr_c = np.clip(tr, 0, board - 1)
            tc_c = np.clip(tc, 0, board - 1)
            flat[d, t - 1] = (tr_c * board + tc_c).reshape(-1)
            mask[d, t - 1] = valid.astype(np.float32)
    return flat, mask


def setup_inputs(seed: int = 0) -> dict:
    key = jax.random.key(seed)
    k1, = jax.random.split(key, 1)
    x = jax.random.normal(k1, (16, 64, BOARD, BOARD), dtype=jnp.float32)
    distances = jnp.arange(1, MAX_DIST + 1, dtype=jnp.float32)
    decay_values = 1.0 / distances ** 1.0
    weight = jnp.stack([decay_values, decay_values * 0.7], axis=0)  # [2, max_dist], D8 symmetry
    return {"x": x, "weight": weight}


def reference(x, weight):
    flat_np, mask_np = _build_ray_indices()
    flat_index = jnp.asarray(flat_np)            # [8, max_dist, H*W] int32
    valid_mask = jnp.asarray(mask_np)            # [8, max_dist, H, W] float32
    B, C, H, W = x.shape
    x_flat = x.reshape(B, C, -1)                 # [B, C, H*W]
    # gather along flattened spatial dim: equivalent to torch.gather on expanded index
    gathered = jnp.take(x_flat, flat_index, axis=2)   # [B, C, 8, max_dist, H*W]
    gathered = gathered.reshape(B, C, 8, MAX_DIST, H, W)
    gathered = gathered * valid_mask[None, None]
    # expand D8-symmetric weights to [8, max_dist]
    expanded = jnp.zeros((8, MAX_DIST), dtype=weight.dtype)
    expanded = expanded.at[LINE_GROUP].set(weight[0])
    expanded = expanded.at[DIAG_GROUP].set(weight[1])
    weighted = gathered * expanded[None, None, :, :, None, None]
    out = weighted.sum(axis=(2, 3))              # [B, C, H, W]
    return out

if __name__ == "__main__":
    import jax
    _d = setup_inputs()
    print(jax.jit(kernel)(*tuple(_d.values())))

</pallas_src>

<mosaic_0001>
#map = affine_map<(d0, d1) -> (0)>
#map1 = affine_map<(d0, d1) -> (0, 0)>
module attributes {stable_mosaic.version = 14 : i64} {
  func.func @_sc_build_mt(%arg0: i32, %arg1: i32, %arg2: memref<64xf32, #tpu.memory_space<hbm>>, %arg3: memref<32x800xi32, #tpu.memory_space<hbm>>, %arg4: memref<147456xf32, #tpu.memory_space<hbm>>, %arg5: memref<800xi32, #tpu.memory_space<vmem>>, %arg6: memref<64xf32, #tpu.memory_space<vmem>>, %arg7: memref<4624xf32, #tpu.memory_space<vmem>>) attributes {dimension_semantics = [#tpu.dimension_semantics<core_parallel>, #tpu.dimension_semantics<subcore_parallel>], iteration_bounds = array<i64: 2, 16>, scalar_prefetch = 0 : i64, scratch_operands = 3 : i64, tpu.core_type = #tpu.core_type<sc_vector_subcore>, window_params = [{transform_indices = #map}, {transform_indices = #map1}, {transform_indices = #map}]} {
    %mul3A = arith.constant 2 : i32
    %mul3A_0 = arith.muli %arg1, %mul3A : i32
    %add3A = arith.addi %mul3A_0, %arg0 : i32
    "tpu.region"() ({
      %run_scoped3A = tpu.sem_alloc : memref<!tpu.dma_semaphore, #tpu.memory_space<semaphore_mem>>
      tpu.enqueue_dma source(%arg2 : memref<64xf32, #tpu.memory_space<hbm>>) target(%arg6 : memref<64xf32, #tpu.memory_space<vmem>>) target_semaphore(%run_scoped3A : memref<!tpu.dma_semaphore, #tpu.memory_space<semaphore_mem>>)
      tpu.wait_dma2 semaphore(%run_scoped3A : memref<!tpu.dma_semaphore, #tpu.memory_space<semaphore_mem>>) src(%arg2 : memref<64xf32, #tpu.memory_space<hbm>>) dst(%arg6 : memref<64xf32, #tpu.memory_space<vmem>>)
      tpu.yield
    }) : () -> ()
    "tpu.region"() ({
      %run_scoped3A = tpu.sem_alloc : memref<!tpu.dma_semaphore, #tpu.memory_space<semaphore_mem>>
      %dma_start3A = arith.constant 0 : i32
      %dma_start3A_14 = tpu.memref_slice %arg3[%add3A, %dma_start3A] : memref<32x800xi32, #tpu.memory_space<hbm>> -> memref<1x800xi32, #tpu.memory_space<hbm>>
      %dma_start3A_15 = tpu.memref_squeeze %dma_start3A_14 : memref<1x800xi32, #tpu.memory_space<hbm>> -> memref<800xi32, #tpu.memory_space<hbm>>
      %dma_start3A_16 = arith.constant 0 : i32
      %dma_start3A_17 = tpu.memref_slice %arg3[%add3A, %dma_start3A_16] : memref<32x800xi32, #tpu.memory_space<hbm>> -> memref<1x800xi32, #tpu.memory_space<hbm>>
      %dma_start3A_18 = tpu.memref_squeeze %dma_start3A_17 : memref<1x800xi32, #tpu.memory_space<hbm>> -> memref<800xi32, #tpu.memory_space<hbm>>
      tpu.enqueue_dma source(%dma_start3A_18 : memref<800xi32, #tpu.memory_space<hbm>>) target(%arg5 : memref<800xi32, #tpu.memory_space<vmem>>) target_semaphore(%run_scoped3A : memref<!tpu.dma_semaphore, #tpu.memory_space<semaphore_mem>>)
      %dma_wait3A = arith.constant 0 : i32
      %dma_wait3A_19 = tpu.memref_slice %arg3[%add3A, %dma_wait3A] : memref<32x800xi32, #tpu.memory_space<hbm>> -> memref<1x800xi32, #tpu.memory_space<hbm>>
      %dma_wait3A_20 = tpu.memref_squeeze %dma_wait3A_19 : memref<1x800xi32, #tpu.memory_space<hbm>> -> memref<800xi32, #tpu.memory_space<hbm>>
      %dma_wait3A_21 = arith.constant 0 : i32
      %dma_wait3A_22 = tpu.memref_slice %arg3[%add3A, %dma_wait3A_21] : memref<32x800xi32, #tpu.memory_space<hbm>> -> memref<1x800xi32, #tpu.memory_space<hbm>>
      %dma_wait3A_23 = tpu.memref_squeeze %dma_wait3A_22 : memref<1x800xi32, #tpu.memory_space<hbm>> -> memref<800xi32, #tpu.memory_space<hbm>>
      tpu.wait_dma2 semaphore(%run_scoped3A : memref<!tpu.dma_semaphore, #tpu.memory_space<semaphore_mem>>) src(%dma_wait3A_23 : memref<800xi32, #tpu.memory_space<hbm>>) dst(%arg5 : memref<800xi32, #tpu.memory_space<vmem>>)
      tpu.yield
    }) : () -> ()
    %scan3A = arith.constant 0 : i32
    %scan3A_1 = arith.constant 0 : i32
    %scan3A_2 = arith.constant 289 : i32
    %scan3A_3 = arith.addi %scan3A_1, %scan3A_2 : i32
    %scan3A_4 = arith.constant 1 : i32
    scf.for %scan3A_14 = %scan3A_1 to %scan3A_3 step %scan3A_4  : i32 {
      %broadcast_in_dim3A = arith.constant 0.000000e+00 : f32
      %broadcast_in_dim3A_15 = vector.broadcast %broadcast_in_dim3A : f32 to vector<16xf32>
      %mul3A_16 = arith.constant 16 : i32
      %mul3A_17 = arith.muli %scan3A_14, %mul3A_16 : i32
      %swap3A = arith.index_cast %mul3A_17 : i32 to index
      %swap3A_18 = tpu.vector_load %arg7[%swap3A] {strides = array<i32>} : memref<4624xf32, #tpu.memory_space<vmem>>, vector<16xf32>,
      tpu.vector_store %arg7[%swap3A], %broadcast_in_dim3A_15 {strides = array<i32>} : memref<4624xf32, #tpu.memory_space<vmem>>, vector<16xf32>,
    }
    %scan3A_5 = arith.constant 289 : i32
    %scan3A_6 = arith.constant 0 : i32
    %scan3A_7 = arith.constant 0 : i32
    %scan3A_8 = arith.constant 50 : i32
    %scan3A_9 = arith.addi %scan3A_7, %scan3A_8 : i32
    %scan3A_10 = arith.constant 1 : i32
    scf.for %scan3A_14 = %scan3A_7 to %scan3A_9 step %scan3A_10  : i32 {
      %mul3A_15 = arith.constant 16 : i32
      %mul3A_16 = arith.muli %scan3A_14, %mul3A_15 : i32
      %get3A = arith.index_cast %mul3A_16 : i32 to index
      %get3A_17 = tpu.vector_load %arg5[%get3A] {strides = array<i32>} : memref<800xi32, #tpu.memory_space<vmem>>, vector<16xi32>,
      %and3A = arith.constant 65535 : i32
      %and3A_18 = vector.broadcast %and3A : i32 to vector<16xi32>
      %and3A_19 = arith.andi %get3A_17, %and3A_18 : vector<16xi32>
      %shift_right_logical3A = arith.constant 16 : i32
      %shift_right_logical3A_20 = vector.broadcast %shift_right_logical3A : i32 to vector<16xi32>
      %shift_right_logical3A_21 = arith.shrui %get3A_17, %shift_right_logical3A_20 : vector<16xi32>
      %gather3A = tpu.vector_load_idx %arg6[%shift_right_logical3A_21] : memref<64xf32, #tpu.memory_space<vmem>>[vector<16xi32>], vector<16xf32>,
      tpu.vector_store_idx %arg7[%and3A_19], %gather3A : memref<4624xf32, #tpu.memory_space<vmem>>[vector<16xi32>], vector<16xf32>,
    }
    %scan3A_11 = arith.constant 50 : i32
    %mul3A_12 = arith.constant 4608 : i32
    %mul3A_13 = arith.muli %add3A, %mul3A_12 : i32
    "tpu.region"() ({
      %run_scoped3A = tpu.sem_alloc : memref<!tpu.dma_semaphore, #tpu.memory_space<semaphore_mem>>
      %dma_start3A = arith.constant 0 : i32
      %dma_start3A_14 = tpu.memref_slice %arg7[%dma_start3A] : memref<4624xf32, #tpu.memory_space<vmem>> -> memref<4608xf32, #tpu.memory_space<vmem>>
      %dma_start3A_15 = tpu.memref_slice %arg4[%mul3A_13] : memref<147456xf32, #tpu.memory_space<hbm>> -> memref<4608xf32, #tpu.memory_space<hbm>>
      %dma_start3A_16 = tpu.memref_slice %arg4[%mul3A_13] : memref<147456xf32, #tpu.memory_space<hbm>> -> memref<4608xf32, #tpu.memory_space<hbm>>
      %dma_start3A_17 = arith.constant 0 : i32
      %dma_start3A_18 = tpu.memref_slice %arg7[%dma_start3A_17] : memref<4624xf32, #tpu.memory_space<vmem>> -> memref<4608xf32, #tpu.memory_space<vmem>>
      tpu.enqueue_dma source(%dma_start3A_18 : memref<4608xf32, #tpu.memory_space<vmem>>) target(%dma_start3A_16 : memref<4608xf32, #tpu.memory_space<hbm>>) target_semaphore(%run_scoped3A : memref<!tpu.dma_semaphore, #tpu.memory_space<semaphore_mem>>)
      %dma_wait3A = arith.constant 0 : i32
      %dma_wait3A_19 = tpu.memref_slice %arg7[%dma_wait3A] : memref<4624xf32, #tpu.memory_space<vmem>> -> memref<4608xf32, #tpu.memory_space<vmem>>
      %dma_wait3A_20 = tpu.memref_slice %arg4[%mul3A_13] : memref<147456xf32, #tpu.memory_space<hbm>> -> memref<4608xf32, #tpu.memory_space<hbm>>
      %dma_wait3A_21 = tpu.memref_slice %arg4[%mul3A_13] : memref<147456xf32, #tpu.memory_space<hbm>> -> memref<4608xf32, #tpu.memory_space<hbm>>
      %dma_wait3A_22 = arith.constant 0 : i32
      %dma_wait3A_23 = tpu.memref_slice %arg7[%dma_wait3A_22] : memref<4624xf32, #tpu.memory_space<vmem>> -> memref<4608xf32, #tpu.memory_space<vmem>>
      tpu.wait_dma2 semaphore(%run_scoped3A : memref<!tpu.dma_semaphore, #tpu.memory_space<semaphore_mem>>) src(%dma_wait3A_23 : memref<4608xf32, #tpu.memory_space<vmem>>) dst(%dma_wait3A_21 : memref<4608xf32, #tpu.memory_space<hbm>>)
      tpu.yield
    }) : () -> ()
    return
  }
}

module attributes {stable_mosaic.version = 14 : i64} {
  func.func @_mm_body(%arg0: memref<384x384xf32, #tpu.memory_space<vmem>>, %arg1: memref<1024x361xf32, #tpu.memory_space<vmem>>, %arg2: memref<1024x361xf32, #tpu.memory_space<vmem>>) attributes {dimension_semantics = [], scalar_prefetch = 0 : i64, scratch_operands = 0 : i64, tpu.core_type = #tpu.core_type<tc>} {
    %get3A = arith.constant 0 : index
    %get3A_0 = arith.constant 0 : index
    %get3A_1 = vector.load %arg0[%get3A, %get3A_0] : memref<384x384xf32, #tpu.memory_space<vmem>>, vector<361x361xf32>
    %get3A_2 = arith.constant 0 : index
    %get3A_3 = arith.constant 0 : index
    %get3A_4 = vector.load %arg1[%get3A_2, %get3A_3] : memref<1024x361xf32, #tpu.memory_space<vmem>>, vector<1024x361xf32>
    %dot_general3A = arith.constant dense<0.000000e+00> : vector<1024x361xf32>
    %dot_general3A_5 = tpu.matmul %get3A_4, %get3A_1, %dot_general3A {dimension_numbers = #tpu.dot_dimension_numbers<[1], [0], [0], [1], [0, 0, 1, 1], [], []>, transpose_lhs_hint = false} : vector<1024x361xf32>, vector<361x361xf32>, vector<1024x361xf32> -> vector<1024x361xf32>
    %swap3A = arith.constant 0 : index
    %swap3A_6 = arith.constant 0 : index
    %swap3A_7 = vector.load %arg2[%swap3A, %swap3A_6] : memref<1024x361xf32, #tpu.memory_space<vmem>>, vector<1024x361xf32>
    tpu.vector_store %arg2[%swap3A, %swap3A_6], %dot_general3A_5 {strides = array<i32>} : memref<1024x361xf32, #tpu.memory_space<vmem>>, vector<1024x361xf32>,
    return
  }
}

</mosaic_0001>

<sc_bundles>
// kernel: kernel.4.cloned.1.call-start
scs
__scs_entry_jumppad:
0x0: {  	(pc) =	sbr.rel $0x88, $3  }
0x1: {  	(tag) =	ssettag $0x0;
	lr =	simm.s32 $0x1  }
0x2: {  	[smem:$0x3F9F] =	sst lr;
	_ =	strace $0xD0000000  }
0x3: {  	_ = 	snop  }
0x4: {  	_ = 	snop  }
0x5: {  	_ = 	snop  }
0x6: {  	_ = 	snop  }
0x7: {  	_ = 	snop  }
__scs_overlays_trampoline_lowered:
0x8: {  	[smem:$0x3FAE] =	sst s0  }
0x9: {  	[smem:$0x3FAF] =	sst s1  }
0xa: {  	[smem:$0x3FB0] =	sst s2  }
0xb: {  	[smem:$0x3FB1] =	sst s3  }
0xc: {  	[smem:$0x3FB2] =	sst s4  }
0xd: {  	[smem:$0x3FB3] =	sst s5  }
0xe: {  	[smem:$0x3FB4] =	sst s6  }
0xf: {  	[smem:$0x3FB5] =	sst s7  }
0x10: {  	[smem:$0x3FB6] =	sst s8  }
0x11: {  	[smem:$0x3FB7] =	sst s9;
	s0 =	simm.s32 @!p0 $0x0  }
0x12: {  	s1 =	sld [smem:$0x3F9D];
	s0 =	simm.s32 @p0 $0x1  }
0x13: {  	[smem:$0x3FB8] =	sst s0;
	s0 =	simm.s32 @!p1 $0x0  }
0x14: {  	s2 =	sld [smem:$0x3F9C];
	s0 =	simm.s32 @p1 $0x1  }
0x15: {  	[smem:$0x3FB9] =	sst s0;
	s0 =	simm.s32 @!p2 $0x0  }
0x16: {  	s3 =	sld [smem:$0x3FDB];
	s0 =	simm.s32 @p2 $0x1  }
0x17: {  	s4 =	simm.s32 $0x1BF5;
	[smem:$0x3FBB] =	sst s0  }
0x18: {  	s0 =	sld [smem:$0x3F9E];
	_ =	swait.ge [sflag:s4], $0x0  }
0x19: {  	s7 =	sld [smem:$0x3F9F]  }
0x1a: {  	s8 =	sadd.s32 $0xFFFFE003, lr  }
0x1b: {  	s9 =	sadd.s32 $0xFFFFFEF7, lr;
	s5 =	simm.s32 $0xFFFFFFFF;
	p2 =	slt.u32 s8, $0xFFFFF086  }
0x1c: {  	p1 =	slt.u32 s9, $0xF7A;
	s5 =	simm.s32 @!p2 $0x0  }
0x1d: {  	s5 =	simm.s32 @p1 $0x1;
	p0 =	seq.s32 s7, s2  }
0x1e: {  	s7 =	smul.u32 @!p0 $0xF7A, s2;
	p2 =	seq.s32 @!p0 s5, $0x0  }
0x1f: {  	s9 =	smul.u32 $0xF7A, s1;
	s8 =	simm.s32 @!p0 $0x1BF5;
	p2 =	por !p2, p0  }
0x20: {  	[sflag:s8] =	ssyncset.s32 @!p0 $0xFFFFF086;
	s6 =	sadd.s32 @!p0 s3, s7;
	s7 =	simm.s32 @!p0 $0x108  }
0x21: {  	s3 =	sadd.s32 s3, s9;
	s6 =	sadd.s32 @!p0 $0x88, s6;
	s7 =	simm.s32 @p2 $0x1082  }
0x22: {  	[simem:s7], [sflag:s8] =	dma.local @!p0 [hbm:s6], $0xF7A  }
0x23: {  	s9 =	sor.u32 $0xD0000000, s2;
	s6 =	simm.s32 $0x108;
	_ =	swait.ge @!p0 [sflag:s8], $0x0  }
0x24: {  	s3 =	sadd.s32 $0x88, s3;
	s6 =	simm.s32 @!p1 $0x1082;
	[sflag:s4] =	ssyncset.s32 $0xFFFFF086  }
0x25: {  	[simem:s6], [sflag:s4] =	dma.local [hbm:s3], $0xF7A  }
0x26: {  	[smem:$0x3F9F] =	sst s1;
	(tag) =	ssettag s2;
	_ =	strace s9  }
0x27: {  	s1 =	sld [smem:$0x3FAF]  }
0x28: {  	s2 =	sld [smem:$0x3FB0]  }
0x29: {  	s4 =	sld [smem:$0x3FB2]  }
0x2a: {  	p0 =	seq.s32 s5, $0x0;
	s5 =	sld [smem:$0x3FB3]  }
0x2b: {  	s6 =	sld [smem:$0x3FB4]  }
0x2c: {  	s7 =	sld [smem:$0x3FB5]  }
0x2d: {  	s3 =	simm.s32 $0x108;
	s8 =	sld [smem:$0x3FB6]  }
0x2e: {  	s3 =	simm.s32 @!p0 $0x1082;
	s9 =	sld [smem:$0x3FB7]  }
0x2f: {  	lr =	sadd.s32 s0, s3;
	s0 =	sld [smem:$0x3FAE]  }
0x30: {  	s3 =	sld [smem:$0x3FB1]  }
0x31: {  	[smem:$0x3FBA] =	sst s10  }
0x32: {  	s10 =	sld [smem:$0x3FB8];
	_ =	sdelay $0x3  }
0x33: {  	p0 =	seq.s32 s10, $0x1;
	s10 =	sld [smem:$0x3FBA];
	_ =	sdelay $0x3  }
0x34: {  	[smem:$0x3FBA] =	sst s10  }
0x35: {  	s10 =	sld [smem:$0x3FB9];
	_ =	sdelay $0x3  }
0x36: {  	p1 =	seq.s32 s10, $0x1;
	s10 =	sld [smem:$0x3FBA];
	_ =	sdelay $0x3  }
0x37: {  	[smem:$0x3FBA] =	sst s10  }
0x38: {  	s10 =	sld [smem:$0x3FBB]  }
0x39: {  	_ = 	snop;
	(pc) =	sbr.ind lr, $3  }
0x3a: {  	_ = 	snop  }
0x3b: {  	_ = 	snop  }
0x3c: {  	p2 =	seq.s32 s10, $0x1;
	s10 =	sld [smem:$0x3FBA]  }
0x3d: {  	_ =	shalt  }
0x3e: {  	_ =	shalt  }
0x3f: {  	_ =	shalt  }
0x40: {  	_ =	shalt  }
0x41: {  	_ =	shalt  }
0x42: {  	_ =	shalt  }
0x43: {  	_ =	shalt  }
0x44: {  	_ =	shalt  }
0x45: {  	_ =	shalt  }
0x46: {  	_ =	shalt  }
0x47: {  	_ =	shalt  }
0x48: {  	_ =	shalt  }
0x49: {  	_ =	shalt  }
0x4a: {  	_ =	shalt  }
0x4b: {  	_ =	shalt  }
0x4c: {  	_ =	shalt  }
0x4d: {  	_ =	shalt  }
0x4e: {  	_ =	shalt  }
0x4f: {  	_ =	shalt  }
0x50: {  	_ =	shalt  }
0x51: {  	_ =	shalt  }
0x52: {  	_ =	shalt  }
0x53: {  	_ =	shalt  }
0x54: {  	_ =	shalt  }
0x55: {  	_ =	shalt  }
0x56: {  	_ =	shalt  }
0x57: {  	_ =	shalt  }
0x58: {  	_ =	shalt  }
0x59: {  	_ =	shalt  }
0x5a: {  	_ =	shalt  }
0x5b: {  	_ =	shalt  }
0x5c: {  	_ =	shalt  }
0x5d: {  	_ =	shalt  }
0x5e: {  	_ =	shalt  }
0x5f: {  	_ =	shalt  }
0x60: {  	_ =	shalt  }
0x61: {  	_ =	shalt  }
0x62: {  	_ =	shalt  }
0x63: {  	_ =	shalt  }
0x64: {  	_ =	shalt  }
0x65: {  	_ =	shalt  }
0x66: {  	_ =	shalt  }
0x67: {  	_ =	shalt  }
0x68: {  	_ =	shalt  }
0x69: {  	_ =	shalt  }
0x6a: {  	_ =	shalt  }
0x6b: {  	_ =	shalt  }
0x6c: {  	_ =	shalt  }
0x6d: {  	_ =	shalt  }
0x6e: {  	_ =	shalt  }
0x6f: {  	_ =	shalt  }
0x70: {  	_ =	shalt  }
0x71: {  	_ =	shalt  }
0x72: {  	_ =	shalt  }
0x73: {  	_ =	shalt  }
0x74: {  	_ =	shalt  }
0x75: {  	_ =	shalt  }
0x76: {  	_ =	shalt  }
0x77: {  	_ =	shalt  }
0x78: {  	_ =	shalt  }
0x79: {  	_ =	shalt  }
0x7a: {  	_ =	shalt  }
0x7b: {  	_ =	shalt  }
0x7c: {  	_ =	shalt  }
0x7d: {  	_ =	shalt  }
0x7e: {  	_ =	shalt  }
0x7f: {  	_ =	shalt  }
0x80: {  	_ =	shalt  }
0x81: {  	_ =	shalt  }
0x82: {  	_ =	shalt  }
0x83: {  	_ =	shalt  }
0x84: {  	_ =	shalt  }
0x85: {  	_ =	shalt  }
0x86: {  	_ =	shalt  }
0x87: {  	_ =	shalt  }
.Lfunc_end0:
.L_simem_size_0:
called_computation_lowered:
.L_overlay_start_0:
0x88: {  	s2 =	sld [smem:$0x3FD9]  }
0x89: {  	s3 =	sld [smem:$0x3FFE];
	_ =	sdelay $0x1  }
0x8a: {  	s1 =	srdreg.scid  }
0x8b: {  	s0 =	sand.u32 $0x1, s1  }
0x8c: {  	s17 =	sshll.u32 s0, $0xA;
	s2 =	sadd.s32 s3, s2  }
0x8d: {  	s2 =	sadd.s32 s2, s17  }
0x8e: {  	[smem:$0x3FC6] =	sst s2  }
0x8f: {  	_ = 	snop  }
0x90: {  	s2 =	sld [smem:$0x3FD0];
	(tm) =	ssettm $0x1  }
0x91: {  	s18 =	sld [smem:$0x3FFB];
	_ =	sdelay $0x3  }
0x92: {  	_ =	strace s18  }
0x93: {  	s3 =	sld [smem:$0x3FFC];
	_ =	sdelay $0x3  }
0x94: {  	_ =	strace s3  }
0x95: {  	s3 =	sld [smem:$0x3FFD];
	_ =	sdelay $0x3  }
0x96: {  	_ =	strace s3  }
0x97: {  	_ =	strace $0x8FFFFFFF  }
0x98: {  	s19 =	sld [smem:$0x3FDB];
	_ =	sdelay $0x1  }
0x99: {  	s4 =	simm.s32 $_scs_section_size  }
0x9a: {  	s5 =	simm.s32 $_size__tile_overlayer_lowered;
	s6 =	simm.s32 $_tile_overlayer_lowered  }
0x9b: {  	s22 =	simm.s32 $0x1BFF;
	s21 =	sshll.u32 s6, $0x1;
	s3 =	sadd.s32 s4, s19  }
0x9c: {  	s7 =	simm.s32 $0x0;
	s20 =	sshll.u32 s5, $0x1;
	s5 =	sadd.s32 s21, s3  }
0x9d: {  	[timem:s7], [sflag:s22] =	dma.local [hbm:s5], s20  }
0x9e: {  	_ =	swait.ge [sflag:s22], s20  }
0x9f: {  	s4 =	ssub.s32 $0x0, s20;
	[sflag:s22] =	ssyncset.done $0x0  }
0xa0: {  	[sflag:s22] =	ssyncadd.s32 s4;
	_ =	sdelay $0x1  }
0xa1: {  	s23 =	simm.s32 $0x1B8B  }
0xa2: {  	_ =	swait.ge [sflag:s23], $0x1  }
0xa3: {  	[sflag:s23] =	ssyncset.done $0x0  }
0xa4: {  	s25 =	simm.s32 $0x1B8E;
	s24 =	sld [smem:$0x3FFE];
	[sflag:s23] =	ssyncadd.s32 $0xFFFFFFFF  }
0xa5: {  	s26 =	simm.s32 $execute0_lowered;
	[smem:$0x3FD2] =	sst s25  }
0xa6: {  	s5 =	sshll.u32 s26, $0x1;
	_ =	strace $0x80000046;
	[dreg:$0x1] =	wrdreg $0xFFFFFFFF  }
0xa7: {  	s28 =	simm.s32 $_size_execute0_lowered;
	s3 =	sadd.s32 s3, s5;
	[dreg:$0x0] =	wrdreg $0x0  }
0xa8: {  	s5 =	sshll.u32 s28, $0x1;
	[dreg:$0x2] =	wrdreg s3  }
0xa9: {  	[dreg:$0x3] =	wrdreg s5  }
0xaa: {  	[dreg:$0x4] =	wrdreg $0xC0  }
0xab: {  	_ =	task [dreg:s7], $0x5FFFF  }
0xac: {  	[dreg:$0x1] =	wrdreg $0xFFFFFFFF  }
0xad: {  	[dreg:$0x0] =	wrdreg $0x60  }
0xae: {  	[dreg:$0x2] =	wrdreg s24  }
0xaf: {  	[dreg:$0x3] =	wrdreg s2  }
0xb0: {  	[dreg:$0x4] =	wrdreg $0x9  }
0xb1: {  	_ =	task.clear_ibuf [dreg:s7], $0x5FFFF;
	_ =	strace $0x90000046  }
0xb2: {  	s29 =	simm.s32 $0x9;
	_ =	strace $0x80000048  }
0xb3: {  	_ =	swait.ge [sflag:s29], $0x1  }
0xb4: {  	[sflag:s29] =	ssyncadd.s32 $0xFFFFFFFF  }
0xb5: {  	_ =	strace $0x90000048  }
0xb6: {  	_ =	sfence  }
0xb7: {  	s30 =	sld [smem:$0x0];
	_ =	sdelay $0x2  }
0xb8: {  	s31 =	sshll.u32 s1, $0xD;
	s1 =	sshrl.u32 s1, $0x2  }
0xb9: {  	s3 =	sand.u32 $0x4000, s31;
	s1 =	sadd.s32 s1, s30  }
0xba: {  	s0 =	sor.u32 s3, s0;
	s1 =	sshll.u32 s1, $0x11  }
0xbb: {  	s0 =	sor.u32 s1, s0  }
0xbc: {  	s0 =	sadd.s32 $0x8F2B, s0  }
0xbd: {  	[sflag:s0] =	ssyncadd.remote.s32 $0x1  }
0xbe: {  	_ =	sfence.sel $0xFFFF  }
0xbf: {  	[dreg:$0x0] =	wrdreg $0xFFFFFFFF;
	(pc) =	sbr.abs _section_cstart, $3  }
0xc0: {  	[dreg:$0x1] =	wrdreg $0xFFFFFFFF  }
0xc1: {  	_ =	task.clear_ibuf [dreg:s7], $0x2FFFF;
	_ =	strace $0x9FFFFFFF  }
0xc2: {  	(tm) =	ssettm $0x7FFFFFFF  }
0xc3: {  	_ =	shalt  }
tec
execute0_lowered:
.L_overlay_start_1:
0x0: {  	(tag) =	ssettag $0x1  }
0x1: {  	s4 =	rddreg [dreg:$0x0];
	s1 =	srdreg.scid  }
0x2: {  	s0 =	stileid.u32;
	s5 =	rddreg [dreg:$0x1]  }
0x3: {  	s9 =	simm.s32 $0x80;
	s10 =	simm.s32 $0x400;
	s11 =	simm.s32 $0x0  }
0x4: {  	s3 =	sand.u32 $0x1, s1;
	s2 =	sshll.u32 s0, $0x1;
	s1 =	rddreg [dreg:$0x2]  }
0x5: {  	s7 =	sshrl.u32 s0, $0x2;
	s6 =	sor.u32 s3, s2;
	s2 =	simm.s32 $0x0  }
0x6: {  	s7 =	smul.u32 $0x1C00, s7;
	s30 =	ssub.s32 $0x2, s3;
	s8 =	sshll.u32 s6, $0x7  }
0x7: {  	s3 =	sadd.s32 $0x600, s4;
	s6 =	smul.u32 $0x240, s6;
	s8 =	sand.u32 $0x380, s8  }
0x8: {  	[smem:$0x7FF] =	sst s2;
	s31 =	sshrl.u32 s30, $0x1;
	s7 =	sor.u32 s7, s8  }
0x9: {  	_ =	strace $0x80000047;
	s5 =	sadd.s32 s5, s6;
	s7 =	sshrl.u32 s7, $0x3  }
0xa: {  	s8 =	simm.s32 $0x1;
	s4 =	sadd.s32 s7, s4;
	s7 =	ssub.s32 s30, s31  }
0xb: {  	v0 =	vimm.f32 $0.0e+00;
	s4 =	sadd.s32 $0x800, s4;
	s6 =	smax.u32 s7, $0x1;
	s7 =	simm.s32 $0x380  }
.LBB2_1:
0xc: {  	[tilespmem:s7], [sflag:$0x1] =	stream.linear.gather [hbm4b:s3+s2], $0x80, $0x38;
	[tilespmem:$0x1680] =	vst v63  }
0xd: {  	_ =	swait.ge [sflag:s8], $0x80  }
0xe: {  	[sflag:s8] =	ssyncset.done $0x0  }
0xf: {  	[sflag:s8] =	ssyncadd.s32 $0xFFFFFF80  }
0x10: {  	[tilespmem:s2], [sflag:$0x1] =	stream.strided.gather [hbm4b:s4+s9], $0x380, s10, s9, $0x38;
	[tilespmem:$0x1680] =	vst v63  }
0x11: {  	_ =	swait.ge [sflag:s8], $0x380  }
0x12: {  	[sflag:s8] =	ssyncset.done $0x0  }
0x13: {  	s12 =	simm.s32 $0x0;
	[sflag:s8] =	ssyncadd.s32 $0xFFFFFC80  }
.LBB2_2:
0x14: {  	p0 =	sne.s32 s12, $0x4800  }
.Ltmp0:
0x15: {  	_ = 	snop;
	(pc) =	sbr.rel @p0 .LBB2_2-.Ltmp0, $3  }
0x16: {  	_ =	sdelay $0x1  }
0x17: {  	s13 =	sshra.s32 s12, $0x2  }
0x18: {  	s12 =	sadd.s32 $0x40, s12;
	[tilespmem:s13+$0x400] =	vst v0  }
0x19: {  	s13 =	simm.s32 $0x0;
	s12 =	simm.s32 $0x40  }
.LBB2_4:
0x1a: {  	p0 =	sne.s32 s12, $0xC40;
	v1 =	vld [tilespmem:s13+$0x0];
	_ =	sdelay $0x4  }
0x1b: {  	v2 =	vshrl.u32 v1, $0x10;
	_ =	sdelay $0x4  }
0x1c: {  	v2 =	vld.idx.msk [tilespmem:v2+s7+$0x0], $0xffff  }
0x1d: {  	v1 =	vand.u32 $0xFFFF, v1  }
.Ltmp1:
0x1e: {  	(pc) =	sbr.rel @p0 .LBB2_4-.Ltmp1, $2  }
0x1f: {  	_ =	sdelay $0x2  }
0x20: {  	s13 =	sshra.s32 s12, $0x2;
	s12 =	sadd.s32 $0x40, s12;
	[tilespmem:v1+s10+$0x0] =	vst.idx.msk $0xffff, v2  }
0x21: {  	v1 =	vld [tilespmem:s13+$0x0];
	_ =	sdelay $0x4  }
0x22: {  	v2 =	vshrl.u32 v1, $0x10;
	_ =	sdelay $0x4  }
0x23: {  	v1 =	vand.u32 $0xFFFF, v1;
	v2 =	vld.idx.msk [tilespmem:v2+s7+$0x0], $0xffff;
	_ =	sdelay $0x2  }
0x24: {  	s11 =	sadd.s32 $0x1, s11  }
0x25: {  	p0 =	sne.s32 s11, s6  }
.Ltmp2:
0x26: {  	[tilespmem:v1+s10+$0x0] =	vst.idx.msk $0xffff, v2;
	(pc) =	sbr.rel @p0 .LBB2_1-.Ltmp2, $4  }
0x27: {  	[hbm4b:s5+s2] =	stream.linear.scatter [tilespmem:s10], [sflag:$0x1], $0x1200, $0x38;
	[tilespmem:$0x1680] =	vst v63  }
0x28: {  	_ =	swait.ge [sflag:s8], $0x1200  }
0x29: {  	[sflag:s8] =	ssyncset.done $0x0  }
0x2a: {  	[sflag:s8] =	ssyncadd.s32 $0xFFFFEE00  }
0x2b: {  	_ =	sfence.sel $0x180000  }
0x2c: {  	[bflag:$0x0] =	sbarrier.arrive $0xFFFF  }
0x2d: {  	p0 =	sne.s32 s0, $0x0;
	_ =	strace $0x90000047  }
0x2e: {  	s0 =	sadd.s32 @!p0 $0x100000, s1;
	[bflag:$0x2] =	sbarrier.arrive $0xFFFF  }
0x2f: {  	[sflag:s0] =	ssyncadd.tile.s32 @!p0 $0x1;
	_ =	shalt  }
.Lfunc_end2:
_tile_overlayer_lowered:
.L_overlay_start_2:
0x30: {  	(tag) =	ssettag $0x2  }
0x31: {  	s0 =	rddreg [dreg:$0x0];
	s2 =	stileid.u32  }
0x32: {  	s1 =	rddreg [dreg:$0x1];
	p0 =	sne.s32 s2, $0x0  }
0x33: {  	s3 =	rddreg [dreg:$0x2];
	[bflag:$0x3] =	sbarrier.arrive $0xFFFF;
	s2 =	simm.s32 @!p0 $0x1C01  }
0x34: {  	[timem:s3], [sflag:s2] =	dma.local @!p0 [hbm:s0], s1  }
0x35: {  	s0 =	simm.s32 @!p0 $0x1  }
0x36: {  	_ =	swait.ge @!p0 [sflag:s0], s1  }
0x37: {  	s1 =	ssub.s32 @!p0 $0x0, s1;
	[sflag:s0] =	ssyncset.done @!p0 $0x0  }
0x38: {  	[sflag:s0] =	ssyncadd.s32 @!p0 s1  }
0x39: {  	[bflag:$0x3] =	sbarrier.arrive $0xFFFF  }
0x3a: {  	_ =	shalt  }

</sc_bundles>
